<compile_context>
chip_gen: v7x
topology: tpu7x:2x2x1
jax: 0.10.2.dev20260603
libtpu: 0.0.44.dev20260713+nightly
codegen_flags: <defaults>
</compile_context>

<pallas_src>
import jax
import jax.numpy as jnp
from jax.experimental import pallas as pl
from jax.experimental.pallas import tpu as pltpu
from jax.experimental.pallas import tpu_sc as plsc

_CHUNK = 6144


def kernel(inputs, pos_table):
    B, S, D = inputs.shape
    N = B * S * D
    TD = S * D
    n_tab = TD // _CHUNK
    x1 = inputs.reshape(N)
    t1 = pos_table.reshape(TD)
    mesh = plsc.VectorSubcoreMesh(core_axis_name="c", subcore_axis_name="s")

    @pl.kernel(out_type=jax.ShapeDtypeStruct((N,), inputs.dtype), mesh=mesh)
    def sc_add(x_hbm, t_hbm, o_hbm):
        def body(x_vmem, t_vmem, o_vmem):
            @plsc.parallel_loop(0, _CHUNK, step=16, unroll=8)
            def _(c):
                o_vmem[pl.ds(c, 16)] = x_vmem[pl.ds(c, 16)] + t_vmem[pl.ds(c, 16)]

        pltpu.emit_pipeline(
            body,
            grid=(N // _CHUNK,),
            in_specs=[
                pl.BlockSpec((_CHUNK,), lambda i: (i,)),
                pl.BlockSpec((_CHUNK,), lambda i: (jax.lax.rem(i, n_tab),)),
            ],
            out_specs=[pl.BlockSpec((_CHUNK,), lambda i: (i,))],
            core_axis_name=("c", "s"),
            dimension_semantics=(pltpu.PARALLEL,),
        )(x_hbm, t_hbm, o_hbm)

    return sc_add(x1, t1).reshape(B, S, D)

# --- scband reference (transcript-rebuilt; emitter-appended) ---
"""Pipeline reference for scband-positional-embedding-58892591563027 (READ-ONLY COPY).

The authoritative reference and input builder live on the scoring server;
editing this copy changes nothing except your own understanding.
"""

import jax, jax.numpy as jnp
import numpy as np

SEQ_LEN = 8192
OUT_DIM = 768
BATCH = 4


def setup_inputs(seed: int = 0) -> dict:
    key = jax.random.key(seed)
    k1, k2 = jax.random.split(key)
    inputs = jax.random.normal(k1, (BATCH, SEQ_LEN, OUT_DIM), dtype=jnp.float32)
    # Embedding table (learned parameter), keras default uniform init
    pos_table = jax.random.uniform(k2, (SEQ_LEN, OUT_DIM), dtype=jnp.float32, minval=-0.05, maxval=0.05)
    return {"inputs": inputs, "pos_table": pos_table}


def reference(inputs, pos_table):
    length = inputs.shape[1]
    positions = jnp.arange(0, length, 1)
    embedded_positions = jnp.take(pos_table, positions, axis=0)
    return inputs + embedded_positions

if __name__ == "__main__":
    import jax
    _d = setup_inputs()
    print(jax.jit(kernel)(*tuple(_d.values())))

</pallas_src>

<mosaic_0001>
#map = affine_map<(d0, d1) -> (0)>
module attributes {stable_mosaic.version = 14 : i64} {
  func.func @sc_add(%arg0: i32, %arg1: i32, %arg2: memref<25165824xf32, #tpu.memory_space<hbm>>, %arg3: memref<6291456xf32, #tpu.memory_space<hbm>>, %arg4: memref<25165824xf32, #tpu.memory_space<hbm>>) attributes {dimension_semantics = [#tpu.dimension_semantics<core_parallel>, #tpu.dimension_semantics<subcore_parallel>], iteration_bounds = array<i64: 2, 16>, scalar_prefetch = 0 : i64, scratch_operands = 0 : i64, tpu.core_type = #tpu.core_type<sc_vector_subcore>, window_params = [{transform_indices = #map}, {transform_indices = #map}, {transform_indices = #map}]} {
    %mul3A = arith.constant 1 : i32
    %mul3A_0 = arith.muli %arg1, %mul3A : i32
    %add3A = arith.constant 0 : i32
    %add3A_1 = arith.addi %add3A, %mul3A_0 : i32
    %mul3A_2 = arith.constant 16 : i32
    %mul3A_3 = arith.muli %arg0, %mul3A_2 : i32
    %add3A_4 = arith.addi %add3A_1, %mul3A_3 : i32
    %mul3A_5 = arith.constant 128 : i32
    %mul3A_6 = arith.muli %add3A_4, %mul3A_5 : i32
    "tpu.region"() ({
      %run_scoped3A = memref.alloca() : memref<12288xf32, #tpu.memory_space<vmem>>
      %run_scoped3A_7 = tpu.sem_alloc : memref<2x!tpu.dma_semaphore, #tpu.memory_space<semaphore_mem>>
      %run_scoped3A_8 = memref.alloca() : memref<12288xf32, #tpu.memory_space<vmem>>
      %run_scoped3A_9 = tpu.sem_alloc : memref<2x!tpu.dma_semaphore, #tpu.memory_space<semaphore_mem>>
      %run_scoped3A_10 = memref.alloca() : memref<12288xf32, #tpu.memory_space<vmem>>
      %run_scoped3A_11 = tpu.sem_alloc : memref<2x!tpu.dma_semaphore, #tpu.memory_space<semaphore_mem>>
      %add3A_12 = arith.constant 0 : i32
      %add3A_13 = arith.addi %add3A_12, %mul3A_6 : i32
      %select_n3A = arith.constant true
      %select_n3A_14 = arith.constant 0 : i32
      %select_n3A_15 = arith.constant -1 : i32
      %select_n3A_16 = arith.select %select_n3A, %select_n3A_15, %select_n3A_14 : i32
      %eq3A = arith.constant -1 : i32
      %eq3A_17 = arith.cmpi eq, %select_n3A_16, %eq3A : i32
      %select_n3A_18 = arith.constant 127 : i32
      %select_n3A_19 = arith.select %eq3A_17, %select_n3A_18, %select_n3A_16 : i32
      %add3A_20 = arith.addi %select_n3A_19, %mul3A_6 : i32
      %select_n3A_21 = arith.constant true
      %select_n3A_22 = arith.constant 0 : i32
      %select_n3A_23 = arith.constant 1 : i32
      %select_n3A_24 = arith.select %select_n3A_21, %select_n3A_23, %select_n3A_22 : i32
      %eq3A_25 = arith.constant 128 : i32
      %eq3A_26 = arith.cmpi eq, %select_n3A_24, %eq3A_25 : i32
      %select_n3A_27 = arith.constant 0 : i32
      %select_n3A_28 = arith.select %eq3A_26, %select_n3A_27, %select_n3A_24 : i32
      %add3A_29 = arith.addi %select_n3A_28, %mul3A_6 : i32
      %add3A_30 = arith.constant 1 : i32
      %add3A_31 = arith.addi %select_n3A_28, %add3A_30 : i32
      %select_n3A_32 = arith.constant true
      %select_n3A_33 = arith.select %select_n3A_32, %add3A_31, %select_n3A_28 : i32
      %eq3A_34 = arith.constant 128 : i32
      %eq3A_35 = arith.cmpi eq, %select_n3A_33, %eq3A_34 : i32
      %select_n3A_36 = arith.constant 0 : i32
      %select_n3A_37 = arith.select %eq3A_35, %select_n3A_36, %select_n3A_33 : i32
      %add3A_38 = arith.addi %select_n3A_37, %mul3A_6 : i32
      "tpu.trace_start"() <{level = 10 : i32, message = "ep_initialize_0"}> : () -> ()
      %rem3A = arith.constant 0 : i32
      %rem3A_39 = arith.constant 2 : i32
      %rem3A_40 = arith.remui %rem3A, %rem3A_39 : i32
      %mul3A_41 = arith.constant 6144 : i32
      %mul3A_42 = arith.muli %mul3A_41, %add3A_13 : i32
      %mul3A_43 = arith.constant 6144 : i32
      %mul3A_44 = arith.muli %rem3A_40, %mul3A_43 : i32
      %add3A_45 = arith.constant 0 : i32
      %add3A_46 = arith.addi %mul3A_44, %add3A_45 : i32
      %dma_start3A = tpu.memref_slice %run_scoped3A[%add3A_46] : memref<12288xf32, #tpu.memory_space<vmem>> -> memref<6144xf32, #tpu.memory_space<vmem>>
      %dma_start3A_47 = tpu.memref_slice %arg2[%mul3A_42] : memref<25165824xf32, #tpu.memory_space<hbm>> -> memref<6144xf32, #tpu.memory_space<hbm>>
      %dma_start3A_48 = tpu.memref_slice %run_scoped3A_7[%rem3A_40] : memref<2x!tpu.dma_semaphore, #tpu.memory_space<semaphore_mem>> -> memref<1x!tpu.dma_semaphore, #tpu.memory_space<semaphore_mem>>
      %dma_start3A_49 = tpu.memref_squeeze %dma_start3A_48 : memref<1x!tpu.dma_semaphore, #tpu.memory_space<semaphore_mem>> -> memref<!tpu.dma_semaphore, #tpu.memory_space<semaphore_mem>>
      %dma_start3A_50 = tpu.memref_slice %run_scoped3A[%add3A_46] : memref<12288xf32, #tpu.memory_space<vmem>> -> memref<6144xf32, #tpu.memory_space<vmem>>
      %dma_start3A_51 = tpu.memref_slice %arg2[%mul3A_42] : memref<25165824xf32, #tpu.memory_space<hbm>> -> memref<6144xf32, #tpu.memory_space<hbm>>
      tpu.enqueue_dma source(%dma_start3A_51 : memref<6144xf32, #tpu.memory_space<hbm>>) target(%dma_start3A_50 : memref<6144xf32, #tpu.memory_space<vmem>>) target_semaphore(%dma_start3A_49 : memref<!tpu.dma_semaphore, #tpu.memory_space<semaphore_mem>>)
      %add3A_52 = arith.constant 0 : i32
      %add3A_53 = arith.constant 1 : i32
      %add3A_54 = arith.addi %add3A_52, %add3A_53 : i32
      %select_n3A_55 = arith.constant true
      %select_n3A_56 = arith.constant 0 : i32
      %select_n3A_57 = arith.select %select_n3A_55, %add3A_54, %select_n3A_56 : i32
      %rem3A_58 = arith.constant 0 : i32
      %rem3A_59 = arith.constant 2 : i32
      %rem3A_60 = arith.remui %rem3A_58, %rem3A_59 : i32
      %rem3A_61 = arith.constant 1024 : i32
      %rem3A_62 = arith.remsi %add3A_13, %rem3A_61 : i32
      %mul3A_63 = arith.constant 6144 : i32
      %mul3A_64 = arith.muli %mul3A_63, %rem3A_62 : i32
      %mul3A_65 = arith.constant 6144 : i32
      %mul3A_66 = arith.muli %rem3A_60, %mul3A_65 : i32
      %add3A_67 = arith.constant 0 : i32
      %add3A_68 = arith.addi %mul3A_66, %add3A_67 : i32
      %dma_start3A_69 = tpu.memref_slice %run_scoped3A_8[%add3A_68] : memref<12288xf32, #tpu.memory_space<vmem>> -> memref<6144xf32, #tpu.memory_space<vmem>>
      %dma_start3A_70 = tpu.memref_slice %arg3[%mul3A_64] : memref<6291456xf32, #tpu.memory_space<hbm>> -> memref<6144xf32, #tpu.memory_space<hbm>>
      %dma_start3A_71 = tpu.memref_slice %run_scoped3A_9[%rem3A_60] : memref<2x!tpu.dma_semaphore, #tpu.memory_space<semaphore_mem>> -> memref<1x!tpu.dma_semaphore, #tpu.memory_space<semaphore_mem>>
      %dma_start3A_72 = tpu.memref_squeeze %dma_start3A_71 : memref<1x!tpu.dma_semaphore, #tpu.memory_space<semaphore_mem>> -> memref<!tpu.dma_semaphore, #tpu.memory_space<semaphore_mem>>
      %dma_start3A_73 = tpu.memref_slice %run_scoped3A_8[%add3A_68] : memref<12288xf32, #tpu.memory_space<vmem>> -> memref<6144xf32, #tpu.memory_space<vmem>>
      %dma_start3A_74 = tpu.memref_slice %arg3[%mul3A_64] : memref<6291456xf32, #tpu.memory_space<hbm>> -> memref<6144xf32, #tpu.memory_space<hbm>>
      tpu.enqueue_dma source(%dma_start3A_74 : memref<6144xf32, #tpu.memory_space<hbm>>) target(%dma_start3A_73 : memref<6144xf32, #tpu.memory_space<vmem>>) target_semaphore(%dma_start3A_72 : memref<!tpu.dma_semaphore, #tpu.memory_space<semaphore_mem>>)
      %add3A_75 = arith.constant 0 : i32
      %add3A_76 = arith.constant 1 : i32
      %add3A_77 = arith.addi %add3A_75, %add3A_76 : i32
      %select_n3A_78 = arith.constant true
      %select_n3A_79 = arith.constant 0 : i32
      %select_n3A_80 = arith.select %select_n3A_78, %add3A_77, %select_n3A_79 : i32
      "tpu.trace_stop"() : () -> ()
      %scan3A = arith.constant 0 : i32
      %scan3A_81 = arith.constant 0 : i32
      %scan3A_82 = arith.constant 0 : i32
      %scan3A_83 = arith.constant 0 : i32
      %scan3A_84 = arith.constant 0 : i32
      %scan3A_85 = arith.constant 0 : i32
      %scan3A_86 = arith.constant 128 : i32
      %scan3A_87 = arith.addi %scan3A_85, %scan3A_86 : i32
      %scan3A_88 = arith.constant 1 : i32
      %scan3A_89:7 = scf.for %scan3A_139 = %scan3A_85 to %scan3A_87 step %scan3A_88 iter_args(%scan3A_140 = %select_n3A_57, %scan3A_141 = %scan3A, %scan3A_142 = %select_n3A_80, %scan3A_143 = %scan3A_81, %scan3A_144 = %scan3A_82, %scan3A_145 = %scan3A_83, %scan3A_146 = %scan3A_84) -> (i32, i32, i32, i32, i32, i32, i32)  : i32 {
        %eq3A_147 = arith.constant 0 : i32
        %eq3A_148 = arith.cmpi eq, %scan3A_139, %eq3A_147 : i32
        %eq3A_149 = arith.constant 127 : i32
        %eq3A_150 = arith.cmpi eq, %scan3A_139, %eq3A_149 : i32
        %add3A_151 = arith.addi %scan3A_146, %mul3A_6 : i32
        %sub3A_152 = arith.constant 1 : i32
        %sub3A_153 = arith.subi %scan3A_146, %sub3A_152 : i32
        %select_n3A_154 = arith.constant true
        %select_n3A_155 = arith.select %select_n3A_154, %sub3A_153, %scan3A_146 : i32
        %eq3A_156 = arith.constant -1 : i32
        %eq3A_157 = arith.cmpi eq, %select_n3A_155, %eq3A_156 : i32
        %select_n3A_158 = arith.constant 127 : i32
        %select_n3A_159 = arith.select %eq3A_157, %select_n3A_158, %select_n3A_155 : i32
        %add3A_160 = arith.addi %select_n3A_159, %mul3A_6 : i32
        %add3A_161 = arith.constant 1 : i32
        %add3A_162 = arith.addi %scan3A_146, %add3A_161 : i32
        %select_n3A_163 = arith.constant true
        %select_n3A_164 = arith.select %select_n3A_163, %add3A_162, %scan3A_146 : i32
        %eq3A_165 = arith.constant 128 : i32
        %eq3A_166 = arith.cmpi eq, %select_n3A_164, %eq3A_165 : i32
        %select_n3A_167 = arith.constant 0 : i32
        %select_n3A_168 = arith.select %eq3A_166, %select_n3A_167, %select_n3A_164 : i32
        %add3A_169 = arith.addi %select_n3A_168, %mul3A_6 : i32
        %add3A_170 = arith.constant 1 : i32
        %add3A_171 = arith.addi %select_n3A_168, %add3A_170 : i32
        %select_n3A_172 = arith.constant true
        %select_n3A_173 = arith.select %select_n3A_172, %add3A_171, %select_n3A_168 : i32
        %eq3A_174 = arith.constant 128 : i32
        %eq3A_175 = arith.cmpi eq, %select_n3A_173, %eq3A_174 : i32
        %select_n3A_176 = arith.constant 0 : i32
        %select_n3A_177 = arith.select %eq3A_175, %select_n3A_176, %select_n3A_173 : i32
        %add3A_178 = arith.addi %select_n3A_177, %mul3A_6 : i32
        %ne3A = arith.cmpi ne, %add3A_151, %add3A_169 : i32
        %or3A = arith.constant false
        %or3A_179 = arith.ori %or3A, %ne3A : i1
        %ge3A = arith.constant 127 : i32
        %ge3A_180 = arith.cmpi sge, %scan3A_139, %ge3A : i32
        %not3A = arith.constant true
        %not3A_181 = arith.xori %ge3A_180, %not3A : i1
        %and3A = arith.andi %or3A_179, %not3A_181 : i1
        %convert_element_type3A = arith.extui %and3A : i1 to i32
        %cond3A = arith.constant 0 : i32
        %cond3A_182 = arith.cmpi ne, %convert_element_type3A, %cond3A : i32
        scf.if %cond3A_182 {
          "tpu.trace_start"() <{level = 10 : i32, message = "ep_copy_in"}> : () -> ()
          %rem3A_355 = arith.constant 2 : i32
          %rem3A_356 = arith.remui %scan3A_140, %rem3A_355 : i32
          %mul3A_357 = arith.constant 6144 : i32
          %mul3A_358 = arith.muli %mul3A_357, %add3A_169 : i32
          %mul3A_359 = arith.constant 6144 : i32
          %mul3A_360 = arith.muli %rem3A_356, %mul3A_359 : i32
          %add3A_361 = arith.constant 0 : i32
          %add3A_362 = arith.addi %mul3A_360, %add3A_361 : i32
          %dma_start3A_363 = tpu.memref_slice %run_scoped3A[%add3A_362] : memref<12288xf32, #tpu.memory_space<vmem>> -> memref<6144xf32, #tpu.memory_space<vmem>>
          %dma_start3A_364 = tpu.memref_slice %arg2[%mul3A_358] : memref<25165824xf32, #tpu.memory_space<hbm>> -> memref<6144xf32, #tpu.memory_space<hbm>>
          %dma_start3A_365 = tpu.memref_slice %run_scoped3A_7[%rem3A_356] : memref<2x!tpu.dma_semaphore, #tpu.memory_space<semaphore_mem>> -> memref<1x!tpu.dma_semaphore, #tpu.memory_space<semaphore_mem>>
          %dma_start3A_366 = tpu.memref_squeeze %dma_start3A_365 : memref<1x!tpu.dma_semaphore, #tpu.memory_space<semaphore_mem>> -> memref<!tpu.dma_semaphore, #tpu.memory_space<semaphore_mem>>
          %dma_start3A_367 = tpu.memref_slice %run_scoped3A[%add3A_362] : memref<12288xf32, #tpu.memory_space<vmem>> -> memref<6144xf32, #tpu.memory_space<vmem>>
          %dma_start3A_368 = tpu.memref_slice %arg2[%mul3A_358] : memref<25165824xf32, #tpu.memory_space<hbm>> -> memref<6144xf32, #tpu.memory_space<hbm>>
          tpu.enqueue_dma source(%dma_start3A_368 : memref<6144xf32, #tpu.memory_space<hbm>>) target(%dma_start3A_367 : memref<6144xf32, #tpu.memory_space<vmem>>) target_semaphore(%dma_start3A_366 : memref<!tpu.dma_semaphore, #tpu.memory_space<semaphore_mem>>)
          "tpu.trace_stop"() : () -> ()
        } else {
        }
        %and3A_183 = arith.constant true
        %and3A_184 = arith.andi %and3A, %and3A_183 : i1
        %add3A_185 = arith.constant 1 : i32
        %add3A_186 = arith.addi %scan3A_140, %add3A_185 : i32
        %select_n3A_187 = arith.select %and3A_184, %add3A_186, %scan3A_140 : i32
        %rem3A_188 = arith.constant 1024 : i32
        %rem3A_189 = arith.remsi %add3A_151, %rem3A_188 : i32
        %rem3A_190 = arith.constant 1024 : i32
        %rem3A_191 = arith.remsi %add3A_169, %rem3A_190 : i32
        %ne3A_192 = arith.cmpi ne, %rem3A_189, %rem3A_191 : i32
        %or3A_193 = arith.constant false
        %or3A_194 = arith.ori %or3A_193, %ne3A_192 : i1
        %ge3A_195 = arith.constant 127 : i32
        %ge3A_196 = arith.cmpi sge, %scan3A_139, %ge3A_195 : i32
        %not3A_197 = arith.constant true
        %not3A_198 = arith.xori %ge3A_196, %not3A_197 : i1
        %and3A_199 = arith.andi %or3A_194, %not3A_198 : i1
        %convert_element_type3A_200 = arith.extui %and3A_199 : i1 to i32
        %cond3A_201 = arith.constant 0 : i32
        %cond3A_202 = arith.cmpi ne, %convert_element_type3A_200, %cond3A_201 : i32
        scf.if %cond3A_202 {
          "tpu.trace_start"() <{level = 10 : i32, message = "ep_copy_in"}> : () -> ()
          %rem3A_355 = arith.constant 2 : i32
          %rem3A_356 = arith.remui %scan3A_142, %rem3A_355 : i32
          %rem3A_357 = arith.constant 1024 : i32
          %rem3A_358 = arith.remsi %add3A_169, %rem3A_357 : i32
          %mul3A_359 = arith.constant 6144 : i32
          %mul3A_360 = arith.muli %mul3A_359, %rem3A_358 : i32
          %mul3A_361 = arith.constant 6144 : i32
          %mul3A_362 = arith.muli %rem3A_356, %mul3A_361 : i32
          %add3A_363 = arith.constant 0 : i32
          %add3A_364 = arith.addi %mul3A_362, %add3A_363 : i32
          %dma_start3A_365 = tpu.memref_slice %run_scoped3A_8[%add3A_364] : memref<12288xf32, #tpu.memory_space<vmem>> -> memref<6144xf32, #tpu.memory_space<vmem>>
          %dma_start3A_366 = tpu.memref_slice %arg3[%mul3A_360] : memref<6291456xf32, #tpu.memory_space<hbm>> -> memref<6144xf32, #tpu.memory_space<hbm>>
          %dma_start3A_367 = tpu.memref_slice %run_scoped3A_9[%rem3A_356] : memref<2x!tpu.dma_semaphore, #tpu.memory_space<semaphore_mem>> -> memref<1x!tpu.dma_semaphore, #tpu.memory_space<semaphore_mem>>
          %dma_start3A_368 = tpu.memref_squeeze %dma_start3A_367 : memref<1x!tpu.dma_semaphore, #tpu.memory_space<semaphore_mem>> -> memref<!tpu.dma_semaphore, #tpu.memory_space<semaphore_mem>>
          %dma_start3A_369 = tpu.memref_slice %run_scoped3A_8[%add3A_364] : memref<12288xf32, #tpu.memory_space<vmem>> -> memref<6144xf32, #tpu.memory_space<vmem>>
          %dma_start3A_370 = tpu.memref_slice %arg3[%mul3A_360] : memref<6291456xf32, #tpu.memory_space<hbm>> -> memref<6144xf32, #tpu.memory_space<hbm>>
          tpu.enqueue_dma source(%dma_start3A_370 : memref<6144xf32, #tpu.memory_space<hbm>>) target(%dma_start3A_369 : memref<6144xf32, #tpu.memory_space<vmem>>) target_semaphore(%dma_start3A_368 : memref<!tpu.dma_semaphore, #tpu.memory_space<semaphore_mem>>)
          "tpu.trace_stop"() : () -> ()
        } else {
        }
        %and3A_203 = arith.constant true
        %and3A_204 = arith.andi %and3A_199, %and3A_203 : i1
        %add3A_205 = arith.constant 1 : i32
        %add3A_206 = arith.addi %scan3A_142, %add3A_205 : i32
        %select_n3A_207 = arith.select %and3A_204, %add3A_206, %scan3A_142 : i32
        %ne3A_208 = arith.cmpi ne, %add3A_151, %add3A_169 : i32
        %or3A_209 = arith.constant false
        %or3A_210 = arith.ori %or3A_209, %ne3A_208 : i1
        %ge3A_211 = arith.constant 127 : i32
        %ge3A_212 = arith.cmpi sge, %scan3A_139, %ge3A_211 : i32
        %not3A_213 = arith.constant true
        %not3A_214 = arith.xori %ge3A_212, %not3A_213 : i1
        %and3A_215 = arith.andi %or3A_210, %not3A_214 : i1
        %ne3A_216 = arith.cmpi ne, %add3A_151, %add3A_160 : i32
        %or3A_217 = arith.constant false
        %or3A_218 = arith.ori %or3A_217, %ne3A_216 : i1
        %or3A_219 = arith.ori %or3A_218, %eq3A_148 : i1
        %convert_element_type3A_220 = arith.extui %or3A_219 : i1 to i32
        %cond3A_221 = arith.constant 0 : i32
        %cond3A_222 = arith.cmpi ne, %convert_element_type3A_220, %cond3A_221 : i32
        scf.if %cond3A_222 {
          "tpu.trace_start"() <{level = 10 : i32, message = "ep_wait_in"}> : () -> ()
          %mul3A_355 = arith.constant 6144 : i32
          %mul3A_356 = arith.muli %mul3A_355, %add3A_151 : i32
          %rem3A_357 = arith.constant 2 : i32
          %rem3A_358 = arith.remui %scan3A_141, %rem3A_357 : i32
          %mul3A_359 = arith.constant 6144 : i32
          %mul3A_360 = arith.muli %rem3A_358, %mul3A_359 : i32
          %add3A_361 = arith.constant 0 : i32
          %add3A_362 = arith.addi %mul3A_360, %add3A_361 : i32
          %dma_wait3A_363 = tpu.memref_slice %run_scoped3A[%add3A_362] : memref<12288xf32, #tpu.memory_space<vmem>> -> memref<6144xf32, #tpu.memory_space<vmem>>
          %dma_wait3A_364 = tpu.memref_slice %arg2[%mul3A_356] : memref<25165824xf32, #tpu.memory_space<hbm>> -> memref<6144xf32, #tpu.memory_space<hbm>>
          %dma_wait3A_365 = tpu.memref_slice %run_scoped3A_7[%rem3A_358] : memref<2x!tpu.dma_semaphore, #tpu.memory_space<semaphore_mem>> -> memref<1x!tpu.dma_semaphore, #tpu.memory_space<semaphore_mem>>
          %dma_wait3A_366 = tpu.memref_squeeze %dma_wait3A_365 : memref<1x!tpu.dma_semaphore, #tpu.memory_space<semaphore_mem>> -> memref<!tpu.dma_semaphore, #tpu.memory_space<semaphore_mem>>
          %dma_wait3A_367 = tpu.memref_slice %run_scoped3A[%add3A_362] : memref<12288xf32, #tpu.memory_space<vmem>> -> memref<6144xf32, #tpu.memory_space<vmem>>
          %dma_wait3A_368 = tpu.memref_slice %arg2[%mul3A_356] : memref<25165824xf32, #tpu.memory_space<hbm>> -> memref<6144xf32, #tpu.memory_space<hbm>>
          tpu.wait_dma2 semaphore(%dma_wait3A_366 : memref<!tpu.dma_semaphore, #tpu.memory_space<semaphore_mem>>) src(%dma_wait3A_368 : memref<6144xf32, #tpu.memory_space<hbm>>) dst(%dma_wait3A_367 : memref<6144xf32, #tpu.memory_space<vmem>>)
          "tpu.trace_stop"() : () -> ()
        } else {
        }
        %rem3A_223 = arith.constant 1024 : i32
        %rem3A_224 = arith.remsi %add3A_151, %rem3A_223 : i32
        %rem3A_225 = arith.constant 1024 : i32
        %rem3A_226 = arith.remsi %add3A_160, %rem3A_225 : i32
        %ne3A_227 = arith.cmpi ne, %rem3A_224, %rem3A_226 : i32
        %or3A_228 = arith.constant false
        %or3A_229 = arith.ori %or3A_228, %ne3A_227 : i1
        %or3A_230 = arith.ori %or3A_229, %eq3A_148 : i1
        %convert_element_type3A_231 = arith.extui %or3A_230 : i1 to i32
        %cond3A_232 = arith.constant 0 : i32
        %cond3A_233 = arith.cmpi ne, %convert_element_type3A_231, %cond3A_232 : i32
        scf.if %cond3A_233 {
          "tpu.trace_start"() <{level = 10 : i32, message = "ep_wait_in"}> : () -> ()
          %rem3A_355 = arith.constant 1024 : i32
          %rem3A_356 = arith.remsi %add3A_151, %rem3A_355 : i32
          %mul3A_357 = arith.constant 6144 : i32
          %mul3A_358 = arith.muli %mul3A_357, %rem3A_356 : i32
          %rem3A_359 = arith.constant 2 : i32
          %rem3A_360 = arith.remui %scan3A_143, %rem3A_359 : i32
          %mul3A_361 = arith.constant 6144 : i32
          %mul3A_362 = arith.muli %rem3A_360, %mul3A_361 : i32
          %add3A_363 = arith.constant 0 : i32
          %add3A_364 = arith.addi %mul3A_362, %add3A_363 : i32
          %dma_wait3A_365 = tpu.memref_slice %run_scoped3A_8[%add3A_364] : memref<12288xf32, #tpu.memory_space<vmem>> -> memref<6144xf32, #tpu.memory_space<vmem>>
          %dma_wait3A_366 = tpu.memref_slice %arg3[%mul3A_358] : memref<6291456xf32, #tpu.memory_space<hbm>> -> memref<6144xf32, #tpu.memory_space<hbm>>
          %dma_wait3A_367 = tpu.memref_slice %run_scoped3A_9[%rem3A_360] : memref<2x!tpu.dma_semaphore, #tpu.memory_space<semaphore_mem>> -> memref<1x!tpu.dma_semaphore, #tpu.memory_space<semaphore_mem>>
          %dma_wait3A_368 = tpu.memref_squeeze %dma_wait3A_367 : memref<1x!tpu.dma_semaphore, #tpu.memory_space<semaphore_mem>> -> memref<!tpu.dma_semaphore, #tpu.memory_space<semaphore_mem>>
          %dma_wait3A_369 = tpu.memref_slice %run_scoped3A_8[%add3A_364] : memref<12288xf32, #tpu.memory_space<vmem>> -> memref<6144xf32, #tpu.memory_space<vmem>>
          %dma_wait3A_370 = tpu.memref_slice %arg3[%mul3A_358] : memref<6291456xf32, #tpu.memory_space<hbm>> -> memref<6144xf32, #tpu.memory_space<hbm>>
          tpu.wait_dma2 semaphore(%dma_wait3A_368 : memref<!tpu.dma_semaphore, #tpu.memory_space<semaphore_mem>>) src(%dma_wait3A_370 : memref<6144xf32, #tpu.memory_space<hbm>>) dst(%dma_wait3A_369 : memref<6144xf32, #tpu.memory_space<vmem>>)
          "tpu.trace_stop"() : () -> ()
        } else {
        }
        %ne3A_234 = arith.cmpi ne, %add3A_151, %add3A_160 : i32
        %or3A_235 = arith.constant false
        %or3A_236 = arith.ori %or3A_235, %ne3A_234 : i1
        %or3A_237 = arith.ori %or3A_236, %eq3A_148 : i1
        %convert_element_type3A_238 = arith.extui %or3A_237 : i1 to i32
        %cond3A_239 = arith.constant 0 : i32
        %cond3A_240 = arith.cmpi ne, %convert_element_type3A_238, %cond3A_239 : i32
        scf.if %cond3A_240 {
        } else {
        }
        %rem3A_241 = arith.constant 2 : i32
        %rem3A_242 = arith.remui %scan3A_141, %rem3A_241 : i32
        %mul3A_243 = arith.constant 6144 : i32
        %mul3A_244 = arith.muli %rem3A_242, %mul3A_243 : i32
        %rem3A_245 = arith.constant 2 : i32
        %rem3A_246 = arith.remui %scan3A_143, %rem3A_245 : i32
        %mul3A_247 = arith.constant 6144 : i32
        %mul3A_248 = arith.muli %rem3A_246, %mul3A_247 : i32
        %rem3A_249 = arith.constant 2 : i32
        %rem3A_250 = arith.remui %scan3A_144, %rem3A_249 : i32
        %mul3A_251 = arith.constant 6144 : i32
        %mul3A_252 = arith.muli %rem3A_250, %mul3A_251 : i32
        %parallel_loop3A = arith.constant 0 : i32
        %parallel_loop3A_253 = arith.constant 6144 : i32
        %parallel_loop3A_254 = arith.constant 16 : i32
        "tpu.trace_start"() <{level = 10 : i32, message = "ep_run_kernel"}> : () -> ()
        scf.for %parallel_loop3A_355 = %parallel_loop3A to %parallel_loop3A_253 step %parallel_loop3A_254  : i32 {
          %parallel_loop3A_356 = tpu.memref_slice %run_scoped3A[%mul3A_244] : memref<12288xf32, #tpu.memory_space<vmem>> -> memref<6144xf32, #tpu.memory_space<vmem>>
          %parallel_loop3A_357 = arith.index_cast %parallel_loop3A_355 : i32 to index
          %parallel_loop3A_358 = tpu.vector_load %parallel_loop3A_356[%parallel_loop3A_357] {strides = array<i32>} : memref<6144xf32, #tpu.memory_space<vmem>>, vector<16xf32>,
          %parallel_loop3A_359 = vector.shape_cast %parallel_loop3A_358 : vector<16xf32> to vector<16xf32>
          %parallel_loop3A_360 = tpu.memref_slice %run_scoped3A_8[%mul3A_248] : memref<12288xf32, #tpu.memory_space<vmem>> -> memref<6144xf32, #tpu.memory_space<vmem>>
          %parallel_loop3A_361 = arith.index_cast %parallel_loop3A_355 : i32 to index
          %parallel_loop3A_362 = tpu.vector_load %parallel_loop3A_360[%parallel_loop3A_361] {strides = array<i32>} : memref<6144xf32, #tpu.memory_space<vmem>>, vector<16xf32>,
          %parallel_loop3A_363 = vector.shape_cast %parallel_loop3A_362 : vector<16xf32> to vector<16xf32>
          %parallel_loop3A_364 = arith.addf %parallel_loop3A_359, %parallel_loop3A_363 : vector<16xf32>
          %parallel_loop3A_365 = tpu.memref_slice %run_scoped3A_10[%mul3A_252] : memref<12288xf32, #tpu.memory_space<vmem>> -> memref<6144xf32, #tpu.memory_space<vmem>>
          %parallel_loop3A_366 = arith.index_cast %parallel_loop3A_355 : i32 to index
          %parallel_loop3A_367 = tpu.vector_load %parallel_loop3A_365[%parallel_loop3A_366] {strides = array<i32>} : memref<6144xf32, #tpu.memory_space<vmem>>, vector<16xf32>,
          %parallel_loop3A_368 = vector.shape_cast %parallel_loop3A_367 : vector<16xf32> to vector<16xf32>
          %parallel_loop3A_369 = vector.shape_cast %parallel_loop3A_364 : vector<16xf32> to vector<16xf32>
          tpu.vector_store %parallel_loop3A_365[%parallel_loop3A_366], %parallel_loop3A_369 {strides = array<i32>} : memref<6144xf32, #tpu.memory_space<vmem>>, vector<16xf32>,
        } {sc.loop_unroll_factor = 8 : i64, sc.parallel_access}
        "tpu.trace_stop"() : () -> ()
        %ne3A_255 = arith.cmpi ne, %add3A_151, %add3A_169 : i32
        %or3A_256 = arith.constant false
        %or3A_257 = arith.ori %or3A_256, %ne3A_255 : i1
        %or3A_258 = arith.ori %or3A_257, %eq3A_150 : i1
        %convert_element_type3A_259 = arith.extui %or3A_258 : i1 to i32
        %cond3A_260 = arith.constant 0 : i32
        %cond3A_261 = arith.cmpi ne, %convert_element_type3A_259, %cond3A_260 : i32
        scf.if %cond3A_261 {
        } else {
        }
        %and3A_262 = arith.constant false
        %and3A_263 = arith.andi %or3A_258, %and3A_262 : i1
        %rem3A_264 = arith.constant 1024 : i32
        %rem3A_265 = arith.remsi %add3A_151, %rem3A_264 : i32
        %rem3A_266 = arith.constant 1024 : i32
        %rem3A_267 = arith.remsi %add3A_169, %rem3A_266 : i32
        %ne3A_268 = arith.cmpi ne, %rem3A_265, %rem3A_267 : i32
        %or3A_269 = arith.constant false
        %or3A_270 = arith.ori %or3A_269, %ne3A_268 : i1
        %or3A_271 = arith.ori %or3A_270, %eq3A_150 : i1
        %convert_element_type3A_272 = arith.extui %or3A_271 : i1 to i32
        %cond3A_273 = arith.constant 0 : i32
        %cond3A_274 = arith.cmpi ne, %convert_element_type3A_272, %cond3A_273 : i32
        scf.if %cond3A_274 {
        } else {
        }
        %and3A_275 = arith.constant false
        %and3A_276 = arith.andi %or3A_271, %and3A_275 : i1
        %ne3A_277 = arith.cmpi ne, %add3A_151, %add3A_169 : i32
        %or3A_278 = arith.constant false
        %or3A_279 = arith.ori %or3A_278, %ne3A_277 : i1
        %or3A_280 = arith.ori %or3A_279, %eq3A_150 : i1
        %convert_element_type3A_281 = arith.extui %or3A_280 : i1 to i32
        %cond3A_282 = arith.constant 0 : i32
        %cond3A_283 = arith.cmpi ne, %convert_element_type3A_281, %cond3A_282 : i32
        scf.if %cond3A_283 {
          "tpu.trace_start"() <{level = 10 : i32, message = "ep_copy_out"}> : () -> ()
          %rem3A_355 = arith.constant 2 : i32
          %rem3A_356 = arith.remui %scan3A_144, %rem3A_355 : i32
          %mul3A_357 = arith.constant 6144 : i32
          %mul3A_358 = arith.muli %mul3A_357, %add3A_151 : i32
          %mul3A_359 = arith.constant 6144 : i32
          %mul3A_360 = arith.muli %rem3A_356, %mul3A_359 : i32
          %add3A_361 = arith.constant 0 : i32
          %add3A_362 = arith.addi %mul3A_360, %add3A_361 : i32
          %dma_start3A_363 = tpu.memref_slice %run_scoped3A_10[%add3A_362] : memref<12288xf32, #tpu.memory_space<vmem>> -> memref<6144xf32, #tpu.memory_space<vmem>>
          %dma_start3A_364 = tpu.memref_slice %arg4[%mul3A_358] : memref<25165824xf32, #tpu.memory_space<hbm>> -> memref<6144xf32, #tpu.memory_space<hbm>>
          %dma_start3A_365 = tpu.memref_slice %run_scoped3A_11[%rem3A_356] : memref<2x!tpu.dma_semaphore, #tpu.memory_space<semaphore_mem>> -> memref<1x!tpu.dma_semaphore, #tpu.memory_space<semaphore_mem>>
          %dma_start3A_366 = tpu.memref_squeeze %dma_start3A_365 : memref<1x!tpu.dma_semaphore, #tpu.memory_space<semaphore_mem>> -> memref<!tpu.dma_semaphore, #tpu.memory_space<semaphore_mem>>
          %dma_start3A_367 = tpu.memref_slice %arg4[%mul3A_358] : memref<25165824xf32, #tpu.memory_space<hbm>> -> memref<6144xf32, #tpu.memory_space<hbm>>
          %dma_start3A_368 = tpu.memref_slice %run_scoped3A_10[%add3A_362] : memref<12288xf32, #tpu.memory_space<vmem>> -> memref<6144xf32, #tpu.memory_space<vmem>>
          tpu.enqueue_dma source(%dma_start3A_368 : memref<6144xf32, #tpu.memory_space<vmem>>) target(%dma_start3A_367 : memref<6144xf32, #tpu.memory_space<hbm>>) target_semaphore(%dma_start3A_366 : memref<!tpu.dma_semaphore, #tpu.memory_space<semaphore_mem>>)
          "tpu.trace_stop"() : () -> ()
        } else {
        }
        %and3A_284 = arith.constant true
        %and3A_285 = arith.andi %or3A_280, %and3A_284 : i1
        %add3A_286 = arith.constant 1 : i32
        %add3A_287 = arith.addi %scan3A_144, %add3A_286 : i32
        %select_n3A_288 = arith.select %and3A_285, %add3A_287, %scan3A_144 : i32
        %ne3A_289 = arith.cmpi ne, %add3A_151, %add3A_160 : i32
        %or3A_290 = arith.constant false
        %or3A_291 = arith.ori %or3A_290, %ne3A_289 : i1
        %not3A_292 = arith.constant true
        %not3A_293 = arith.xori %eq3A_148, %not3A_292 : i1
        %and3A_294 = arith.andi %or3A_291, %not3A_293 : i1
        %convert_element_type3A_295 = arith.extui %and3A_294 : i1 to i32
        %cond3A_296 = arith.constant 0 : i32
        %cond3A_297 = arith.cmpi ne, %convert_element_type3A_295, %cond3A_296 : i32
        scf.if %cond3A_297 {
        } else {
        }
        %and3A_298 = arith.constant false
        %and3A_299 = arith.andi %and3A_294, %and3A_298 : i1
        %rem3A_300 = arith.constant 1024 : i32
        %rem3A_301 = arith.remsi %add3A_151, %rem3A_300 : i32
        %rem3A_302 = arith.constant 1024 : i32
        %rem3A_303 = arith.remsi %add3A_160, %rem3A_302 : i32
        %ne3A_304 = arith.cmpi ne, %rem3A_301, %rem3A_303 : i32
        %or3A_305 = arith.constant false
        %or3A_306 = arith.ori %or3A_305, %ne3A_304 : i1
        %not3A_307 = arith.constant true
        %not3A_308 = arith.xori %eq3A_148, %not3A_307 : i1
        %and3A_309 = arith.andi %or3A_306, %not3A_308 : i1
        %convert_element_type3A_310 = arith.extui %and3A_309 : i1 to i32
        %cond3A_311 = arith.constant 0 : i32
        %cond3A_312 = arith.cmpi ne, %convert_element_type3A_310, %cond3A_311 : i32
        scf.if %cond3A_312 {
        } else {
        }
        %and3A_313 = arith.constant false
        %and3A_314 = arith.andi %and3A_309, %and3A_313 : i1
        %ne3A_315 = arith.cmpi ne, %add3A_151, %add3A_160 : i32
        %or3A_316 = arith.constant false
        %or3A_317 = arith.ori %or3A_316, %ne3A_315 : i1
        %not3A_318 = arith.constant true
        %not3A_319 = arith.xori %eq3A_148, %not3A_318 : i1
        %and3A_320 = arith.andi %or3A_317, %not3A_319 : i1
        %convert_element_type3A_321 = arith.extui %and3A_320 : i1 to i32
        %cond3A_322 = arith.constant 0 : i32
        %cond3A_323 = arith.cmpi ne, %convert_element_type3A_321, %cond3A_322 : i32
        scf.if %cond3A_323 {
          "tpu.trace_start"() <{level = 10 : i32, message = "ep_wait_out"}> : () -> ()
          %rem3A_355 = arith.constant 2 : i32
          %rem3A_356 = arith.remui %scan3A_145, %rem3A_355 : i32
          %mul3A_357 = arith.constant 6144 : i32
          %mul3A_358 = arith.muli %mul3A_357, %add3A_160 : i32
          %mul3A_359 = arith.constant 6144 : i32
          %mul3A_360 = arith.muli %rem3A_356, %mul3A_359 : i32
          %add3A_361 = arith.constant 0 : i32
          %add3A_362 = arith.addi %mul3A_360, %add3A_361 : i32
          %dma_wait3A_363 = tpu.memref_slice %run_scoped3A_10[%add3A_362] : memref<12288xf32, #tpu.memory_space<vmem>> -> memref<6144xf32, #tpu.memory_space<vmem>>
          %dma_wait3A_364 = tpu.memref_slice %arg4[%mul3A_358] : memref<25165824xf32, #tpu.memory_space<hbm>> -> memref<6144xf32, #tpu.memory_space<hbm>>
          %dma_wait3A_365 = tpu.memref_slice %run_scoped3A_11[%rem3A_356] : memref<2x!tpu.dma_semaphore, #tpu.memory_space<semaphore_mem>> -> memref<1x!tpu.dma_semaphore, #tpu.memory_space<semaphore_mem>>
          %dma_wait3A_366 = tpu.memref_squeeze %dma_wait3A_365 : memref<1x!tpu.dma_semaphore, #tpu.memory_space<semaphore_mem>> -> memref<!tpu.dma_semaphore, #tpu.memory_space<semaphore_mem>>
          %dma_wait3A_367 = tpu.memref_slice %arg4[%mul3A_358] : memref<25165824xf32, #tpu.memory_space<hbm>> -> memref<6144xf32, #tpu.memory_space<hbm>>
          %dma_wait3A_368 = tpu.memref_slice %run_scoped3A_10[%add3A_362] : memref<12288xf32, #tpu.memory_space<vmem>> -> memref<6144xf32, #tpu.memory_space<vmem>>
          tpu.wait_dma2 semaphore(%dma_wait3A_366 : memref<!tpu.dma_semaphore, #tpu.memory_space<semaphore_mem>>) src(%dma_wait3A_368 : memref<6144xf32, #tpu.memory_space<vmem>>) dst(%dma_wait3A_367 : memref<6144xf32, #tpu.memory_space<hbm>>)
          "tpu.trace_stop"() : () -> ()
        } else {
        }
        %and3A_324 = arith.constant true
        %and3A_325 = arith.andi %and3A_320, %and3A_324 : i1
        %add3A_326 = arith.constant 1 : i32
        %add3A_327 = arith.addi %scan3A_145, %add3A_326 : i32
        %select_n3A_328 = arith.select %and3A_325, %add3A_327, %scan3A_145 : i32
        %ne3A_329 = arith.cmpi ne, %add3A_151, %add3A_169 : i32
        %or3A_330 = arith.constant false
        %or3A_331 = arith.ori %or3A_330, %ne3A_329 : i1
        %or3A_332 = arith.ori %or3A_331, %eq3A_150 : i1
        %add3A_333 = arith.constant 1 : i32
        %add3A_334 = arith.addi %scan3A_141, %add3A_333 : i32
        %select_n3A_335 = arith.select %or3A_332, %add3A_334, %scan3A_141 : i32
        %rem3A_336 = arith.constant 1024 : i32
        %rem3A_337 = arith.remsi %add3A_151, %rem3A_336 : i32
        %rem3A_338 = arith.constant 1024 : i32
        %rem3A_339 = arith.remsi %add3A_169, %rem3A_338 : i32
        %ne3A_340 = arith.cmpi ne, %rem3A_337, %rem3A_339 : i32
        %or3A_341 = arith.constant false
        %or3A_342 = arith.ori %or3A_341, %ne3A_340 : i1
        %or3A_343 = arith.ori %or3A_342, %eq3A_150 : i1
        %add3A_344 = arith.constant 1 : i32
        %add3A_345 = arith.addi %scan3A_143, %add3A_344 : i32
        %select_n3A_346 = arith.select %or3A_343, %add3A_345, %scan3A_143 : i32
        %add3A_347 = arith.constant 1 : i32
        %add3A_348 = arith.addi %scan3A_146, %add3A_347 : i32
        %select_n3A_349 = arith.constant true
        %select_n3A_350 = arith.select %select_n3A_349, %add3A_348, %scan3A_146 : i32
        %eq3A_351 = arith.constant 128 : i32
        %eq3A_352 = arith.cmpi eq, %select_n3A_350, %eq3A_351 : i32
        %select_n3A_353 = arith.constant 0 : i32
        %select_n3A_354 = arith.select %eq3A_352, %select_n3A_353, %select_n3A_350 : i32
        scf.yield %select_n3A_187, %select_n3A_335, %select_n3A_207, %select_n3A_346, %select_n3A_288, %select_n3A_328, %select_n3A_354 : i32, i32, i32, i32, i32, i32, i32
      }
      %scan3A_90 = arith.constant 128 : i32
      %sub3A = arith.constant 1 : i32
      %sub3A_91 = arith.subi %scan3A_89#6, %sub3A : i32
      %select_n3A_92 = arith.constant true
      %select_n3A_93 = arith.select %select_n3A_92, %sub3A_91, %scan3A_89#6 : i32
      %eq3A_94 = arith.constant -1 : i32
      %eq3A_95 = arith.cmpi eq, %select_n3A_93, %eq3A_94 : i32
      %select_n3A_96 = arith.constant 127 : i32
      %select_n3A_97 = arith.select %eq3A_95, %select_n3A_96, %select_n3A_93 : i32
      %add3A_98 = arith.addi %select_n3A_97, %mul3A_6 : i32
      %sub3A_99 = arith.constant 1 : i32
      %sub3A_100 = arith.subi %select_n3A_97, %sub3A_99 : i32
      %select_n3A_101 = arith.constant true
      %select_n3A_102 = arith.select %select_n3A_101, %sub3A_100, %select_n3A_97 : i32
      %eq3A_103 = arith.constant -1 : i32
      %eq3A_104 = arith.cmpi eq, %select_n3A_102, %eq3A_103 : i32
      %select_n3A_105 = arith.constant 127 : i32
      %select_n3A_106 = arith.select %eq3A_104, %select_n3A_105, %select_n3A_102 : i32
      %add3A_107 = arith.addi %select_n3A_106, %mul3A_6 : i32
      %add3A_108 = arith.constant 1 : i32
      %add3A_109 = arith.addi %select_n3A_97, %add3A_108 : i32
      %select_n3A_110 = arith.constant true
      %select_n3A_111 = arith.select %select_n3A_110, %add3A_109, %select_n3A_97 : i32
      %eq3A_112 = arith.constant 128 : i32
      %eq3A_113 = arith.cmpi eq, %select_n3A_111, %eq3A_112 : i32
      %select_n3A_114 = arith.constant 0 : i32
      %select_n3A_115 = arith.select %eq3A_113, %select_n3A_114, %select_n3A_111 : i32
      %add3A_116 = arith.addi %select_n3A_115, %mul3A_6 : i32
      %add3A_117 = arith.constant 1 : i32
      %add3A_118 = arith.addi %select_n3A_115, %add3A_117 : i32
      %select_n3A_119 = arith.constant true
      %select_n3A_120 = arith.select %select_n3A_119, %add3A_118, %select_n3A_115 : i32
      %eq3A_121 = arith.constant 128 : i32
      %eq3A_122 = arith.cmpi eq, %select_n3A_120, %eq3A_121 : i32
      %select_n3A_123 = arith.constant 0 : i32
      %select_n3A_124 = arith.select %eq3A_122, %select_n3A_123, %select_n3A_120 : i32
      %add3A_125 = arith.addi %select_n3A_124, %mul3A_6 : i32
      "tpu.trace_start"() <{level = 10 : i32, message = "ep_finalize"}> : () -> ()
      %rem3A_126 = arith.constant 2 : i32
      %rem3A_127 = arith.remui %scan3A_89#5, %rem3A_126 : i32
      %mul3A_128 = arith.constant 6144 : i32
      %mul3A_129 = arith.muli %mul3A_128, %add3A_98 : i32
      %mul3A_130 = arith.constant 6144 : i32
      %mul3A_131 = arith.muli %rem3A_127, %mul3A_130 : i32
      %add3A_132 = arith.constant 0 : i32
      %add3A_133 = arith.addi %mul3A_131, %add3A_132 : i32
      %dma_wait3A = tpu.memref_slice %run_scoped3A_10[%add3A_133] : memref<12288xf32, #tpu.memory_space<vmem>> -> memref<6144xf32, #tpu.memory_space<vmem>>
      %dma_wait3A_134 = tpu.memref_slice %arg4[%mul3A_129] : memref<25165824xf32, #tpu.memory_space<hbm>> -> memref<6144xf32, #tpu.memory_space<hbm>>
      %dma_wait3A_135 = tpu.memref_slice %run_scoped3A_11[%rem3A_127] : memref<2x!tpu.dma_semaphore, #tpu.memory_space<semaphore_mem>> -> memref<1x!tpu.dma_semaphore, #tpu.memory_space<semaphore_mem>>
      %dma_wait3A_136 = tpu.memref_squeeze %dma_wait3A_135 : memref<1x!tpu.dma_semaphore, #tpu.memory_space<semaphore_mem>> -> memref<!tpu.dma_semaphore, #tpu.memory_space<semaphore_mem>>
      %dma_wait3A_137 = tpu.memref_slice %arg4[%mul3A_129] : memref<25165824xf32, #tpu.memory_space<hbm>> -> memref<6144xf32, #tpu.memory_space<hbm>>
      %dma_wait3A_138 = tpu.memref_slice %run_scoped3A_10[%add3A_133] : memref<12288xf32, #tpu.memory_space<vmem>> -> memref<6144xf32, #tpu.memory_space<vmem>>
      tpu.wait_dma2 semaphore(%dma_wait3A_136 : memref<!tpu.dma_semaphore, #tpu.memory_space<semaphore_mem>>) src(%dma_wait3A_138 : memref<6144xf32, #tpu.memory_space<vmem>>) dst(%dma_wait3A_137 : memref<6144xf32, #tpu.memory_space<hbm>>)
      "tpu.trace_stop"() : () -> ()
      tpu.yield
    }) : () -> ()
    return
  }
}

</mosaic_0001>

<sc_bundles>
// kernel: kernel.3.cloned.1.call-start
scs
__scs_entry_jumppad:
0x0: {  	(pc) =	sbr.rel $0x88, $3  }
0x1: {  	(tag) =	ssettag $0x0;
	lr =	simm.s32 $0x1  }
0x2: {  	[smem:$0x3F9F] =	sst lr;
	_ =	strace $0xD0000000  }
0x3: {  	_ = 	snop  }
0x4: {  	_ = 	snop  }
0x5: {  	_ = 	snop  }
0x6: {  	_ = 	snop  }
0x7: {  	_ = 	snop  }
__scs_overlays_trampoline_lowered:
0x8: {  	[smem:$0x3FAE] =	sst s0  }
0x9: {  	[smem:$0x3FAF] =	sst s1  }
0xa: {  	[smem:$0x3FB0] =	sst s2  }
0xb: {  	[smem:$0x3FB1] =	sst s3  }
0xc: {  	[smem:$0x3FB2] =	sst s4  }
0xd: {  	[smem:$0x3FB3] =	sst s5  }
0xe: {  	[smem:$0x3FB4] =	sst s6  }
0xf: {  	[smem:$0x3FB5] =	sst s7  }
0x10: {  	[smem:$0x3FB6] =	sst s8  }
0x11: {  	[smem:$0x3FB7] =	sst s9;
	s0 =	simm.s32 @!p0 $0x0  }
0x12: {  	s1 =	sld [smem:$0x3F9D];
	s0 =	simm.s32 @p0 $0x1  }
0x13: {  	[smem:$0x3FB8] =	sst s0;
	s0 =	simm.s32 @!p1 $0x0  }
0x14: {  	s2 =	sld [smem:$0x3F9C];
	s0 =	simm.s32 @p1 $0x1  }
0x15: {  	[smem:$0x3FB9] =	sst s0;
	s0 =	simm.s32 @!p2 $0x0  }
0x16: {  	s3 =	sld [smem:$0x3FDB];
	s0 =	simm.s32 @p2 $0x1  }
0x17: {  	s4 =	simm.s32 $0x1BF5;
	[smem:$0x3FBB] =	sst s0  }
0x18: {  	s0 =	sld [smem:$0x3F9E];
	_ =	swait.ge [sflag:s4], $0x0  }
0x19: {  	s7 =	sld [smem:$0x3F9F]  }
0x1a: {  	s8 =	sadd.s32 $0xFFFFE003, lr  }
0x1b: {  	s9 =	sadd.s32 $0xFFFFFEF7, lr;
	s5 =	simm.s32 $0xFFFFFFFF;
	p2 =	slt.u32 s8, $0xFFFFF086  }
0x1c: {  	p1 =	slt.u32 s9, $0xF7A;
	s5 =	simm.s32 @!p2 $0x0  }
0x1d: {  	s5 =	simm.s32 @p1 $0x1;
	p0 =	seq.s32 s7, s2  }
0x1e: {  	s7 =	smul.u32 @!p0 $0xF7A, s2;
	p2 =	seq.s32 @!p0 s5, $0x0  }
0x1f: {  	s9 =	smul.u32 $0xF7A, s1;
	s8 =	simm.s32 @!p0 $0x1BF5;
	p2 =	por !p2, p0  }
0x20: {  	[sflag:s8] =	ssyncset.s32 @!p0 $0xFFFFF086;
	s6 =	sadd.s32 @!p0 s3, s7;
	s7 =	simm.s32 @!p0 $0x108  }
0x21: {  	s3 =	sadd.s32 s3, s9;
	s6 =	sadd.s32 @!p0 $0x88, s6;
	s7 =	simm.s32 @p2 $0x1082  }
0x22: {  	[simem:s7], [sflag:s8] =	dma.local @!p0 [hbm:s6], $0xF7A  }
0x23: {  	s9 =	sor.u32 $0xD0000000, s2;
	s6 =	simm.s32 $0x108;
	_ =	swait.ge @!p0 [sflag:s8], $0x0  }
0x24: {  	s3 =	sadd.s32 $0x88, s3;
	s6 =	simm.s32 @!p1 $0x1082;
	[sflag:s4] =	ssyncset.s32 $0xFFFFF086  }
0x25: {  	[simem:s6], [sflag:s4] =	dma.local [hbm:s3], $0xF7A  }
0x26: {  	[smem:$0x3F9F] =	sst s1;
	(tag) =	ssettag s2;
	_ =	strace s9  }
0x27: {  	s1 =	sld [smem:$0x3FAF]  }
0x28: {  	s2 =	sld [smem:$0x3FB0]  }
0x29: {  	s4 =	sld [smem:$0x3FB2]  }
0x2a: {  	p0 =	seq.s32 s5, $0x0;
	s5 =	sld [smem:$0x3FB3]  }
0x2b: {  	s6 =	sld [smem:$0x3FB4]  }
0x2c: {  	s7 =	sld [smem:$0x3FB5]  }
0x2d: {  	s3 =	simm.s32 $0x108;
	s8 =	sld [smem:$0x3FB6]  }
0x2e: {  	s3 =	simm.s32 @!p0 $0x1082;
	s9 =	sld [smem:$0x3FB7]  }
0x2f: {  	lr =	sadd.s32 s0, s3;
	s0 =	sld [smem:$0x3FAE]  }
0x30: {  	s3 =	sld [smem:$0x3FB1]  }
0x31: {  	[smem:$0x3FBA] =	sst s10  }
0x32: {  	s10 =	sld [smem:$0x3FB8];
	_ =	sdelay $0x3  }
0x33: {  	p0 =	seq.s32 s10, $0x1;
	s10 =	sld [smem:$0x3FBA];
	_ =	sdelay $0x3  }
0x34: {  	[smem:$0x3FBA] =	sst s10  }
0x35: {  	s10 =	sld [smem:$0x3FB9];
	_ =	sdelay $0x3  }
0x36: {  	p1 =	seq.s32 s10, $0x1;
	s10 =	sld [smem:$0x3FBA];
	_ =	sdelay $0x3  }
0x37: {  	[smem:$0x3FBA] =	sst s10  }
0x38: {  	s10 =	sld [smem:$0x3FBB]  }
0x39: {  	_ = 	snop;
	(pc) =	sbr.ind lr, $3  }
0x3a: {  	_ = 	snop  }
0x3b: {  	_ = 	snop  }
0x3c: {  	p2 =	seq.s32 s10, $0x1;
	s10 =	sld [smem:$0x3FBA]  }
0x3d: {  	_ =	shalt  }
0x3e: {  	_ =	shalt  }
0x3f: {  	_ =	shalt  }
0x40: {  	_ =	shalt  }
0x41: {  	_ =	shalt  }
0x42: {  	_ =	shalt  }
0x43: {  	_ =	shalt  }
0x44: {  	_ =	shalt  }
0x45: {  	_ =	shalt  }
0x46: {  	_ =	shalt  }
0x47: {  	_ =	shalt  }
0x48: {  	_ =	shalt  }
0x49: {  	_ =	shalt  }
0x4a: {  	_ =	shalt  }
0x4b: {  	_ =	shalt  }
0x4c: {  	_ =	shalt  }
0x4d: {  	_ =	shalt  }
0x4e: {  	_ =	shalt  }
0x4f: {  	_ =	shalt  }
0x50: {  	_ =	shalt  }
0x51: {  	_ =	shalt  }
0x52: {  	_ =	shalt  }
0x53: {  	_ =	shalt  }
0x54: {  	_ =	shalt  }
0x55: {  	_ =	shalt  }
0x56: {  	_ =	shalt  }
0x57: {  	_ =	shalt  }
0x58: {  	_ =	shalt  }
0x59: {  	_ =	shalt  }
0x5a: {  	_ =	shalt  }
0x5b: {  	_ =	shalt  }
0x5c: {  	_ =	shalt  }
0x5d: {  	_ =	shalt  }
0x5e: {  	_ =	shalt  }
0x5f: {  	_ =	shalt  }
0x60: {  	_ =	shalt  }
0x61: {  	_ =	shalt  }
0x62: {  	_ =	shalt  }
0x63: {  	_ =	shalt  }
0x64: {  	_ =	shalt  }
0x65: {  	_ =	shalt  }
0x66: {  	_ =	shalt  }
0x67: {  	_ =	shalt  }
0x68: {  	_ =	shalt  }
0x69: {  	_ =	shalt  }
0x6a: {  	_ =	shalt  }
0x6b: {  	_ =	shalt  }
0x6c: {  	_ =	shalt  }
0x6d: {  	_ =	shalt  }
0x6e: {  	_ =	shalt  }
0x6f: {  	_ =	shalt  }
0x70: {  	_ =	shalt  }
0x71: {  	_ =	shalt  }
0x72: {  	_ =	shalt  }
0x73: {  	_ =	shalt  }
0x74: {  	_ =	shalt  }
0x75: {  	_ =	shalt  }
0x76: {  	_ =	shalt  }
0x77: {  	_ =	shalt  }
0x78: {  	_ =	shalt  }
0x79: {  	_ =	shalt  }
0x7a: {  	_ =	shalt  }
0x7b: {  	_ =	shalt  }
0x7c: {  	_ =	shalt  }
0x7d: {  	_ =	shalt  }
0x7e: {  	_ =	shalt  }
0x7f: {  	_ =	shalt  }
0x80: {  	_ =	shalt  }
0x81: {  	_ =	shalt  }
0x82: {  	_ =	shalt  }
0x83: {  	_ =	shalt  }
0x84: {  	_ =	shalt  }
0x85: {  	_ =	shalt  }
0x86: {  	_ =	shalt  }
0x87: {  	_ =	shalt  }
.Lfunc_end0:
.L_simem_size_0:
called_computation_lowered:
.L_overlay_start_0:
0x88: {  	s2 =	sld [smem:$0x3FD9]  }
0x89: {  	s3 =	sld [smem:$0x3FFE];
	_ =	sdelay $0x1  }
0x8a: {  	s1 =	srdreg.scid  }
0x8b: {  	s0 =	sand.u32 $0x1, s1  }
0x8c: {  	s17 =	sshll.u32 s0, $0xA;
	s2 =	sadd.s32 s3, s2  }
0x8d: {  	s2 =	sadd.s32 s2, s17  }
0x8e: {  	[smem:$0x3FC6] =	sst s2  }
0x8f: {  	_ = 	snop  }
0x90: {  	s2 =	sld [smem:$0x3FD0];
	(tm) =	ssettm $0x1  }
0x91: {  	s18 =	sld [smem:$0x3FFB];
	_ =	sdelay $0x3  }
0x92: {  	_ =	strace s18  }
0x93: {  	s3 =	sld [smem:$0x3FFC];
	_ =	sdelay $0x3  }
0x94: {  	_ =	strace s3  }
0x95: {  	s3 =	sld [smem:$0x3FFD];
	_ =	sdelay $0x3  }
0x96: {  	_ =	strace s3  }
0x97: {  	_ =	strace $0x8FFFFFFF  }
0x98: {  	s19 =	sld [smem:$0x3FDB];
	_ =	sdelay $0x1  }
0x99: {  	s4 =	simm.s32 $_scs_section_size  }
0x9a: {  	s5 =	simm.s32 $_size__tile_overlayer_lowered;
	s6 =	simm.s32 $_tile_overlayer_lowered  }
0x9b: {  	s22 =	simm.s32 $0x1BFF;
	s21 =	sshll.u32 s6, $0x1;
	s3 =	sadd.s32 s4, s19  }
0x9c: {  	s7 =	simm.s32 $0x0;
	s20 =	sshll.u32 s5, $0x1;
	s5 =	sadd.s32 s21, s3  }
0x9d: {  	[timem:s7], [sflag:s22] =	dma.local [hbm:s5], s20  }
0x9e: {  	_ =	swait.ge [sflag:s22], s20  }
0x9f: {  	s4 =	ssub.s32 $0x0, s20;
	[sflag:s22] =	ssyncset.done $0x0  }
0xa0: {  	[sflag:s22] =	ssyncadd.s32 s4;
	_ =	sdelay $0x1  }
0xa1: {  	s23 =	simm.s32 $0x1B8B  }
0xa2: {  	_ =	swait.ge [sflag:s23], $0x1  }
0xa3: {  	[sflag:s23] =	ssyncset.done $0x0  }
0xa4: {  	s25 =	simm.s32 $0x1B8E;
	s24 =	sld [smem:$0x3FFE];
	[sflag:s23] =	ssyncadd.s32 $0xFFFFFFFF  }
0xa5: {  	s26 =	simm.s32 $execute0_lowered;
	[smem:$0x3FD2] =	sst s25  }
0xa6: {  	s5 =	sshll.u32 s26, $0x1;
	_ =	strace $0x80000046;
	[dreg:$0x1] =	wrdreg $0xFFFFFFFF  }
0xa7: {  	s28 =	simm.s32 $_size_execute0_lowered;
	s3 =	sadd.s32 s3, s5;
	[dreg:$0x0] =	wrdreg $0x0  }
0xa8: {  	s5 =	sshll.u32 s28, $0x1;
	[dreg:$0x2] =	wrdreg s3  }
0xa9: {  	[dreg:$0x3] =	wrdreg s5  }
0xaa: {  	[dreg:$0x4] =	wrdreg $0xC0  }
0xab: {  	_ =	task [dreg:s7], $0x5FFFF  }
0xac: {  	[dreg:$0x1] =	wrdreg $0xFFFFFFFF  }
0xad: {  	[dreg:$0x0] =	wrdreg $0x60  }
0xae: {  	[dreg:$0x2] =	wrdreg s2  }
0xaf: {  	[dreg:$0x3] =	wrdreg s24  }
0xb0: {  	[dreg:$0x4] =	wrdreg $0x9  }
0xb1: {  	_ =	task.clear_ibuf [dreg:s7], $0x5FFFF;
	_ =	strace $0x90000046  }
0xb2: {  	s29 =	simm.s32 $0x9;
	_ =	strace $0x80000051  }
0xb3: {  	_ =	swait.ge [sflag:s29], $0x1  }
0xb4: {  	[sflag:s29] =	ssyncadd.s32 $0xFFFFFFFF  }
0xb5: {  	_ =	strace $0x90000051  }
0xb6: {  	_ =	sfence  }
0xb7: {  	s30 =	sld [smem:$0x0];
	_ =	sdelay $0x2  }
0xb8: {  	s31 =	sshll.u32 s1, $0xD;
	s1 =	sshrl.u32 s1, $0x2  }
0xb9: {  	s3 =	sand.u32 $0x4000, s31;
	s1 =	sadd.s32 s1, s30  }
0xba: {  	s0 =	sor.u32 s3, s0;
	s1 =	sshll.u32 s1, $0x11  }
0xbb: {  	s0 =	sor.u32 s1, s0  }
0xbc: {  	s0 =	sadd.s32 $0x8F2B, s0  }
0xbd: {  	[sflag:s0] =	ssyncadd.remote.s32 $0x1  }
0xbe: {  	_ =	sfence.sel $0xFFFF  }
0xbf: {  	[dreg:$0x0] =	wrdreg $0xFFFFFFFF;
	(pc) =	sbr.abs _section_cstart, $3  }
0xc0: {  	[dreg:$0x1] =	wrdreg $0xFFFFFFFF  }
0xc1: {  	_ =	task.clear_ibuf [dreg:s7], $0x2FFFF;
	_ =	strace $0x9FFFFFFF  }
0xc2: {  	(tm) =	ssettm $0x7FFFFFFF  }
0xc3: {  	_ =	shalt  }
tec
execute0_lowered:
.L_overlay_start_1:
0x0: {  	(tag) =	ssettag $0x1  }
0x1: {  	s0 =	srdreg.scid;
	s2 =	rddreg [dreg:$0x0]  }
0x2: {  	s6 =	rddreg [dreg:$0x1];
	s5 =	sand.u32 $0x1, s0  }
0x3: {  	s3 =	simm.s32 $0x0;
	s0 =	stileid.u32;
	s1 =	sshll.u32 s5, $0x4  }
0x4: {  	s11 =	simm.s32 $0x0;
	[smem:$0x7FF] =	sst s3;
	s7 =	sor.u32 s0, s1  }
0x5: {  	s9 =	ssub.s32 $0x2, s5;
	s5 =	sadd.s32 $0x400, s6;
	s4 =	sshll.u32 s7, $0x7  }
0x6: {  	s6 =	sadd.s32 $0xC0400, s6;
	s7 =	smul.u32 $0x18000, s7;
	s8 =	sand.u32 $0x380, s4  }
0x7: {  	s1 =	rddreg [dreg:$0x2];
	s10 =	sshrl.u32 s9, $0x1;
	s8 =	smul.u32 $0x300, s8  }
0x8: {  	_ =	strace $0x80000047;
	s9 =	ssub.s32 s9, s10;
	s10 =	simm.s32 $0x3000  }
0x9: {  	s9 =	smax.u32 s9, $0x1;
	s7 =	sadd.s32 s2, s7;
	s8 =	sadd.s32 s5, s8  }
.LBB2_1:
0xa: {  	_ =	strace $0x80000048  }
0xb: {  	s13 =	simm.s32 $0x0;
	s12 =	simm.s32 $0x0;
	s14 =	simm.s32 $0x0  }
0xc: {  	[tilespmem:s3], [sflag:$0x1] =	stream.linear.gather [hbm4b:s7+s3], $0x1800, $0x200038;
	[tilespmem:$0x9000] =	vst v63  }
0xd: {  	s15 =	simm.s32 $0x0;
	s16 =	simm.s32 $0x1;
	s17 =	simm.s32 $0x0  }
0xe: {  	[tilespmem:s10], [sflag:$0x3] =	stream.linear.gather [hbm4b:s8+s3], $0x1800, $0x200038;
	[tilespmem:$0x9000] =	vst v63  }
0xf: {  	s18 =	simm.s32 $0x1;
	s19 =	simm.s32 $0x0;
	_ =	strace $0x90000048  }
.LBB2_2:
0x10: {  	s21 =	smov.u32 s13;
	s13 =	sadd.s32 $0x1, s13  }
0x11: {  	p0 =	seq.s32 s13, $0x80  }
0x12: {  	s13 =	simm.s32 @p0 $0x0  }
0x13: {  	p2 =	sne.s32 s19, $0x7F;
	p0 =	sne.s32 s21, s13  }
0x14: {  	p1 =	por !p2, !p0  }
0x15: {  	s23 =	sadd.s32 s4, s13;
	p3 =	por !p1, !p1  }
0x16: {  	s20 =	sadd.s32 s4, s21;
	s22 =	sand.u32 @p3 $0x1, s18;
	s25 =	smul.u32 @p3 $0x1800, s23  }
0x17: {  	s30 =	sshra.s32 s20, $0x1F;
	s31 =	sshra.s32 s23, $0x1F;
	s24 =	smul.u32 @p3 $0x6000, s22  }
0x18: {  	_ =	strace @p3 $0x80000049;
	s26 =	simm.s32 @p3 $0x0;
	s25 =	sshrl.u32 @p3 s25, $0x3  }
0x19: {  	s22 =	sadd.s32 @p3 $0x1, s22;
	s24 =	sshrl.u32 @p3 s24, $0x2;
	s25 =	sadd.s32 @p3 s2, s25  }
0x1a: {  	[tilespmem:s24], [sflag:s22] =	stream.linear.gather @p3 [hbm4b:s25+s26], $0x1800, $0x200038;
	[tilespmem:$0x9000] =	vst v63  }
0x1b: {  	s22 =	sshrl.u32 s30, $0x16;
	s24 =	sshrl.u32 s31, $0x16  }
0x1c: {  	s22 =	sadd.s32 s22, s20;
	s24 =	sadd.s32 s24, s23  }
0x1d: {  	s22 =	sand.u32 $0xFFFFFC00, s22;
	s24 =	sand.u32 $0xFFFFFC00, s24  }
0x1e: {  	s22 =	ssub.s32 s20, s22;
	s23 =	ssub.s32 s23, s24  }
0x1f: {  	p1 =	sne.s32 s22, s23  }
0x20: {  	p2 =	por !p2, !p1  }
0x21: {  	p4 =	por !p2, !p2  }
0x22: {  	s25 =	sadd.s32 $0xFFFFFFFF, s21;
	s24 =	sand.u32 @p4 $0x1, s16;
	s23 =	smul.u32 @p4 $0x1800, s23  }
0x23: {  	_ =	strace @p3 $0x90000049;
	p2 =	seq.s32 s21, $0x0;
	s21 =	smul.u32 @p4 $0x6000, s24  }
0x24: {  	s25 =	simm.s32 @p2 $0x7F;
	_ =	strace @p4 $0x8000004A;
	s26 =	simm.s32 @p4 $0x0  }
0x25: {  	s25 =	sadd.s32 s4, s25;
	s23 =	sshrl.u32 @p4 s23, $0x3;
	s21 =	sshrl.u32 @p4 s21, $0x2  }
0x26: {  	s24 =	sadd.s32 @p4 $0x3, s24;
	s23 =	sadd.s32 @p4 s5, s23;
	s21 =	sadd.s32 @p4 $0x3000, s21  }
0x27: {  	[tilespmem:s21], [sflag:s24] =	stream.linear.gather @p4 [hbm4b:s23+s26], $0x1800, $0x200038;
	[tilespmem:$0x9000] =	vst v63  }
0x28: {  	s24 =	sshra.s32 s25, $0x1F  }
0x29: {  	s28 =	sand.u32 $0x1, s17;
	s26 =	sshrl.u32 s24, $0x16;
	_ =	strace @p4 $0x9000004A  }
0x2a: {  	s29 =	sadd.s32 $0x1, s28;
	s23 =	sadd.s32 s26, s25;
	_ =	strace $0x8000004B  }
0x2b: {  	s23 =	sand.u32 $0xFFFFFC00, s23;
	_ =	swait.ge [sflag:s29], $0x1800  }
0x2c: {  	p2 =	seq.s32 s19, $0x0;
	s23 =	ssub.s32 s25, s23;
	[sflag:s29] =	ssyncset.done $0x0  }
0x2d: {  	p5 =	seq.s32 @!p2 s22, s23;
	[sflag:s29] =	ssyncadd.s32 $0xFFFFE800  }
0x2e: {  	s22 =	sand.u32 $0x1, s15;
	p5 =	por p2, !p5;
	_ =	strace $0x9000004B  }
0x2f: {  	_ =	strace @p5 $0x8000004C;
	s23 =	sadd.s32 @p5 $0x3, s22  }
0x30: {  	_ =	swait.ge @p5 [sflag:s23], $0x1800  }
0x31: {  	[sflag:s23] =	ssyncset.done @p5 $0x0  }
0x32: {  	[sflag:s23] =	ssyncadd.s32 @p5 $0xFFFFE800  }
0x33: {  	s26 =	simm.s32 $0x1840;
	_ =	strace @p5 $0x9000004C;
	p5 =	seq.s32 s28, $0x1  }
0x34: {  	s26 =	simm.s32 @!p5 $0x40;
	_ =	strace $0x8000004D  }
0x35: {  	v1 =	vld [tilespmem:s26+$0x30]  }
0x36: {  	v3 =	vld [tilespmem:s26+$0xFFFFFFD0]  }
0x37: {  	v5 =	vld [tilespmem:s26+$0xFFFFFFE0]  }
0x38: {  	p5 =	seq.s32 s22, $0x1;
	s22 =	simm.s32 $0x4840;
	v7 =	vld [tilespmem:s26+$0xFFFFFFF0]  }
0x39: {  	s22 =	simm.s32 @!p5 $0x3040;
	v9 =	vld [tilespmem:s26+$0x0]  }
0x3a: {  	v2 =	vld [tilespmem:s22+$0x30]  }
0x3b: {  	v4 =	vld [tilespmem:s22+$0xFFFFFFD0]  }
0x3c: {  	s21 =	sand.u32 $0x1, s14;
	v6 =	vld [tilespmem:s22+$0xFFFFFFE0]  }
0x3d: {  	s30 =	smul.u32 $0x6000, s21;
	v8 =	vld [tilespmem:s22+$0xFFFFFFF0]  }
0x3e: {  	v0 =	vld [tilespmem:s22+$0xFFFFFFC0]  }
0x3f: {  	s31 =	sshrl.u32 s30, $0x2;
	v10 =	vld [tilespmem:s22+$0x0];
	v2 =	vadd.f32 v2, v1  }
0x40: {  	s23 =	sor.u32 $0x6040, s31;
	v3 =	vadd.f32 v4, v3;
	v1 =	vld [tilespmem:s26+$0x10]  }
0x41: {  	s25 =	simm.s32 $0x1;
	v4 =	vadd.f32 v6, v5;
	[tilespmem:s23+$0x30] =	vst v2;
	v2 =	vld [tilespmem:s22+$0x10]  }
0x42: {  	s25 =	simm.s32 @!p3 $0x0;
	s28 =	simm.s32 $0x1;
	v6 =	vadd.f32 v8, v7;
	[tilespmem:s23+$0xFFFFFFD0] =	vst v3;
	v3 =	vld [tilespmem:s26+$0x20]  }
0x43: {  	s24 =	sor.u32 $0x6000, s31;
	s18 =	sadd.s32 s25, s18;
	s28 =	simm.s32 @!p4 $0x0;
	[tilespmem:s23+$0xFFFFFFE0] =	vst v4;
	v4 =	vld [tilespmem:s22+$0x20]  }
0x44: {  	s25 =	simm.s32 $0x0;
	s16 =	sadd.s32 s28, s16;
	v5 =	vld [tilespmem:s26+$0xFFFFFFC0];
	[tilespmem:s23+$0xFFFFFFF0] =	vst v6;
	v6 =	vadd.f32 v10, v9;
	s26 =	sadd.s32 $0x80, s26  }
.LBB2_3:
0x45: {  	v7 =	vld [tilespmem:s26+$0x30];
	s22 =	sadd.s32 $0x80, s22  }
0x46: {  	s25 =	sadd.s32 $0x80, s25;
	v8 =	vld [tilespmem:s22+$0x30];
	[tilespmem:s23+$0x0] =	vst v6;
	v1 =	vadd.f32 v2, v1  }
0x47: {  	p3 =	slt.u32 s25, $0x1780;
	v2 =	vld [tilespmem:s22+$0xFFFFFFC0]  }
0x48: {  	v6 =	vld [tilespmem:s26+$0xFFFFFFD0];
	[tilespmem:s23+$0x10] =	vst v1;
	v1 =	vadd.f32 v4, v3  }
0x49: {  	v3 =	vld [tilespmem:s22+$0xFFFFFFD0];
	v9 =	vadd.f32 v0, v5  }
0x4a: {  	v4 =	vld [tilespmem:s26+$0xFFFFFFE0];
	[tilespmem:s23+$0x20] =	vst v1  }
0x4b: {  	v1 =	vld [tilespmem:s22+$0xFFFFFFE0];
	v5 =	vadd.f32 v8, v7;
	[tilespmem:s23+$0xFFFFFFC0] =	vst v9  }
0x4c: {  	s23 =	sadd.s32 $0x80, s23;
	v7 =	vld [tilespmem:s26+$0xFFFFFFF0];
	v0 =	vmov v2  }
0x4d: {  	v8 =	vld [tilespmem:s22+$0xFFFFFFF0];
	[tilespmem:s23+$0x30] =	vst v5  }
0x4e: {  	v2 =	vadd.f32 v3, v6;
	v6 =	vld [tilespmem:s26+$0x0]  }
0x4f: {  	v9 =	vld [tilespmem:s22+$0x0]  }
.Ltmp0:
0x50: {  	[tilespmem:s23+$0xFFFFFFD0] =	vst v2;
	v3 =	vadd.f32 v1, v4;
	v1 =	vld [tilespmem:s26+$0x10];
	(pc) =	sbr.rel @p3 .LBB2_3-.Ltmp0, $4  }
0x51: {  	v2 =	vld [tilespmem:s22+$0x10]  }
0x52: {  	[tilespmem:s23+$0xFFFFFFE0] =	vst v3;
	v7 =	vadd.f32 v8, v7;
	v3 =	vld [tilespmem:s26+$0x20]  }
0x53: {  	v4 =	vld [tilespmem:s22+$0x20]  }
0x54: {  	v5 =	vld [tilespmem:s26+$0xFFFFFFC0];
	[tilespmem:s23+$0xFFFFFFF0] =	vst v7;
	v6 =	vadd.f32 v9, v6;
	s26 =	sadd.s32 $0x80, s26  }
0x55: {  	_ =	sdelay $0x1  }
0x56: {  	v1 =	vadd.f32 v2, v1  }
0x57: {  	p3 =	seq.s32 s19, $0x7F;
	[tilespmem:s23+$0x0] =	vst v6;
	v63 =	vadd.f32 v4, v3  }
0x58: {  	p0 =	por p3, p0;
	[tilespmem:s23+$0x10] =	vst v1;
	v0 =	vadd.f32 v0, v5  }
0x59: {  	s20 =	smul.u32 @p0 $0x1800, s20;
	[tilespmem:s23+$0x20] =	vst v63  }
0x5a: {  	[tilespmem:s23+$0xFFFFFFC0] =	vst v0  }
0x5b: {  	s21 =	sadd.s32 @p0 $0x5, s21;
	s20 =	sshrl.u32 @p0 s20, $0x3;
	_ =	strace $0x9000004D  }
0x5c: {  	s22 =	simm.s32 @p0 $0x0;
	s20 =	sadd.s32 @p0 s6, s20;
	_ =	strace @p0 $0x8000004E  }
0x5d: {  	[hbm4b:s20+s22] =	stream.linear.scatter @p0 [tilespmem:s24], [sflag:s21], $0x1800, $0x200038;
	[tilespmem:$0x9000] =	vst v63  }
0x5e: {  	s20 =	sand.u32 @!p2 $0x1, s12;
	_ =	strace @p0 $0x9000004E  }
0x5f: {  	s20 =	sadd.s32 @!p2 $0x5, s20;
	_ =	strace @!p2 $0x8000004F  }
0x60: {  	s21 =	simm.s32 $0x1;
	_ =	swait.ge @!p2 [sflag:s20], $0x1800  }
0x61: {  	s21 =	simm.s32 @!p0 $0x0;
	p0 =	sne.s32 s19, $0x0;
	[sflag:s20] =	ssyncset.done @!p2 $0x0  }
0x62: {  	s19 =	sadd.s32 $0x1, s19;
	[sflag:s20] =	ssyncadd.s32 @!p2 $0xFFFFE800;
	s20 =	simm.s32 $0x1  }
0x63: {  	s20 =	simm.s32 @!p0 $0x0;
	p0 =	sne.s32 s19, $0x80  }
.Ltmp1:
0x64: {  	_ = 	snop;
	(pc) =	sbr.rel @p0 .LBB2_2-.Ltmp1, $4  }
0x65: {  	_ = 	snop  }
0x66: {  	p1 =	por p3, p1;
	s22 =	simm.s32 $0x1  }
0x67: {  	s22 =	simm.s32 @!p1 $0x0;
	s14 =	sadd.s32 s21, s14;
	s17 =	sadd.s32 s21, s17  }
0x68: {  	s15 =	sadd.s32 s22, s15;
	_ =	strace @!p2 $0x9000004F;
	s12 =	sadd.s32 s20, s12  }
0x69: {  	s11 =	sadd.s32 $0x1, s11  }
0x6a: {  	s12 =	sand.u32 $0x1, s12;
	p0 =	sne.s32 s11, s9  }
.Ltmp2:
0x6b: {  	_ =	strace $0x80000050;
	s12 =	sadd.s32 $0x5, s12;
	(pc) =	sbr.rel @p0 .LBB2_1-.Ltmp2, $4  }
0x6c: {  	_ =	swait.ge [sflag:s12], $0x1800  }
0x6d: {  	[sflag:s12] =	ssyncset.done $0x0  }
0x6e: {  	[sflag:s12] =	ssyncadd.s32 $0xFFFFE800  }
0x6f: {  	_ =	strace $0x90000050  }
0x70: {  	_ =	sfence.sel $0x180000  }
0x71: {  	[bflag:$0x0] =	sbarrier.arrive $0xFFFF  }
0x72: {  	p0 =	sne.s32 s0, $0x0;
	_ =	strace $0x90000047  }
0x73: {  	s0 =	sadd.s32 @!p0 $0x100000, s1;
	[bflag:$0x2] =	sbarrier.arrive $0xFFFF  }
0x74: {  	[sflag:s0] =	ssyncadd.tile.s32 @!p0 $0x1;
	_ =	shalt  }
.Lfunc_end2:
_tile_overlayer_lowered:
.L_overlay_start_2:
0x75: {  	(tag) =	ssettag $0x2  }
0x76: {  	s0 =	rddreg [dreg:$0x0];
	s2 =	stileid.u32  }
0x77: {  	s1 =	rddreg [dreg:$0x1];
	p0 =	sne.s32 s2, $0x0  }
0x78: {  	s3 =	rddreg [dreg:$0x2];
	[bflag:$0x3] =	sbarrier.arrive $0xFFFF;
	s2 =	simm.s32 @!p0 $0x1C01  }
0x79: {  	[timem:s3], [sflag:s2] =	dma.local @!p0 [hbm:s0], s1  }
0x7a: {  	s0 =	simm.s32 @!p0 $0x1  }
0x7b: {  	_ =	swait.ge @!p0 [sflag:s0], s1  }
0x7c: {  	s1 =	ssub.s32 @!p0 $0x0, s1;
	[sflag:s0] =	ssyncset.done @!p0 $0x0  }
0x7d: {  	[sflag:s0] =	ssyncadd.s32 @!p0 s1  }
0x7e: {  	[bflag:$0x3] =	sbarrier.arrive $0xFFFF  }
0x7f: {  	_ =	shalt  }

</sc_bundles>
